<compile_context>
chip_gen: v7x
topology: tpu7x:2x2x1
jax: 0.10.2.dev20260603
libtpu: 0.0.44.dev20260713+nightly
codegen_flags: <defaults>
</compile_context>

<pallas_src>
import jax
import jax.numpy as jnp
from jax import lax
from jax.experimental import pallas as pl
from jax.experimental.pallas import tpu as pltpu
from jax.experimental.pallas import tpu_sc as plsc

BATCH = 16384
EMBED_DIM = 32

_NC = 2
_NS = 16
_NW = _NC * _NS
_BPW = BATCH // _NW
_CHUNK = 128
_NCHUNK = _BPW // _CHUNK


def _sc_lookup(labels2d, drop_i32, table, null_emb):
    mesh = plsc.VectorSubcoreMesh(core_axis_name="c", subcore_axis_name="s")

    @pl.kernel(
        mesh=mesh,
        compiler_params=pltpu.CompilerParams(
            needs_layout_passes=False, use_tc_tiling_on_sc=False),
        out_type=jax.ShapeDtypeStruct((BATCH, EMBED_DIM), jnp.float32),
        scratch_types=[
            pltpu.VMEM((_NCHUNK, _CHUNK), jnp.int32),
            pltpu.VMEM((_BPW,), jnp.int32),
            pltpu.VMEM((EMBED_DIM,), jnp.float32),
            pltpu.VMEM((_BPW, EMBED_DIM), jnp.float32),
            pltpu.SemaphoreType.DMA,
        ],
    )
    def k(labels_hbm, drop_hbm, table_hbm, null_hbm, out_hbm,
          idx_v, drop_v, null_v, rows_v, sem):
        wid = lax.axis_index("s") * _NC + lax.axis_index("c")
        base = wid * _BPW

        pltpu.sync_copy(labels_hbm.at[pl.ds(wid * _NCHUNK, _NCHUNK)], idx_v)
        pltpu.sync_copy(drop_hbm.at[pl.ds(base, _BPW)], drop_v)
        pltpu.sync_copy(null_hbm, null_v)

        copies = [
            pltpu.async_copy(
                table_hbm.at[idx_v.at[j]],
                rows_v.at[pl.ds(j * _CHUNK, _CHUNK)],
                sem,
            )
            for j in range(_NCHUNK)
        ]
        for cp in copies:
            cp.wait()

        iota = lax.iota(jnp.int32, 16)
        null_splat = [
            plsc.load_gather(null_v, [jnp.full((16,), c, jnp.int32)])
            for c in range(EMBED_DIM)
        ]

        def group_body(g, carry):
            drop16 = drop_v[pl.ds(g * 16, 16)]
            m = drop16 != 0
            rows16 = g * 16 + iota
            for c in range(EMBED_DIM):
                plsc.store_scatter(
                    rows_v, [rows16, jnp.full((16,), c, jnp.int32)],
                    null_splat[c], mask=m)
            return carry

        lax.fori_loop(0, _BPW // 16, group_body, 0)

        pltpu.sync_copy(rows_v, out_hbm.at[pl.ds(base, _BPW)])

    return k(labels2d, drop_i32, table, null_emb)


def kernel(labels, force_drop_ids, table, null_embedding):
    labels2d = labels.astype(jnp.int32).reshape(BATCH // _CHUNK, _CHUNK)
    drop_i32 = force_drop_ids.astype(jnp.int32)
    return _sc_lookup(labels2d, drop_i32, table, null_embedding)

# --- scband reference (transcript-rebuilt; emitter-appended) ---
"""Pipeline reference for scband-label-embedding-13383118094890 (READ-ONLY COPY).

The authoritative reference and input builder live on the scoring server;
editing this copy changes nothing except your own understanding.
"""

import jax, jax.numpy as jnp
import numpy as np

NUM_CLASSES = 1000000
EMBED_DIM = 32
BATCH = 16384


def setup_inputs(seed: int = 0) -> dict:
    key = jax.random.key(seed)
    k1, k2, k3 = jax.random.split(key, 3)
    labels = jax.random.randint(k1, (BATCH,), 0, NUM_CLASSES, dtype=jnp.int64 if jax.config.jax_enable_x64 else jnp.int32)
    force_drop_ids = jnp.zeros((BATCH,), dtype=jnp.bool_)
    table = jax.random.normal(k2, (NUM_CLASSES, EMBED_DIM), dtype=jnp.float32)
    null_embedding = jax.random.normal(k3, (EMBED_DIM,), dtype=jnp.float32)
    return {"labels": labels, "force_drop_ids": force_drop_ids, "table": table, "null_embedding": null_embedding}


def reference(labels, force_drop_ids, table, null_embedding):
    # embedding lookup (gather)
    embeddings = jnp.take(table, labels, axis=0)
    # eval mode: dropout_prob path disabled, start from all-false drop mask
    drop_ids = jnp.zeros((labels.shape[0],), dtype=jnp.bool_)
    if force_drop_ids is not None:
        drop_ids = drop_ids | force_drop_ids
    out = jnp.where(drop_ids[:, None], jnp.broadcast_to(null_embedding[None, :], (labels.shape[0], null_embedding.shape[0])), embeddings)
    return out

if __name__ == "__main__":
    import jax
    _d = setup_inputs()
    print(jax.jit(kernel)(*tuple(_d.values())))

</pallas_src>

<mosaic_0001>
#map = affine_map<(d0, d1) -> (0, 0)>
#map1 = affine_map<(d0, d1) -> (0)>
module attributes {stable_mosaic.version = 14 : i64} {
  func.func @k(%arg0: i32, %arg1: i32, %arg2: memref<128x128xi32, #tpu.memory_space<hbm>>, %arg3: memref<16384xi32, #tpu.memory_space<hbm>>, %arg4: memref<1000000x32xf32, #tpu.memory_space<hbm>>, %arg5: memref<32xf32, #tpu.memory_space<hbm>>, %arg6: memref<16384x32xf32, #tpu.memory_space<hbm>>, %arg7: memref<4x128xi32, #tpu.memory_space<vmem>>, %arg8: memref<512xi32, #tpu.memory_space<vmem>>, %arg9: memref<32xf32, #tpu.memory_space<vmem>>, %arg10: memref<512x32xf32, #tpu.memory_space<vmem>>, %arg11: memref<!tpu.dma_semaphore, #tpu.memory_space<semaphore_mem>>) attributes {dimension_semantics = [#tpu.dimension_semantics<core_parallel>, #tpu.dimension_semantics<subcore_parallel>], iteration_bounds = array<i64: 2, 16>, scalar_prefetch = 0 : i64, scratch_operands = 5 : i64, tpu.core_type = #tpu.core_type<sc_vector_subcore>, window_params = [{transform_indices = #map}, {transform_indices = #map1}, {transform_indices = #map}, {transform_indices = #map1}, {transform_indices = #map}]} {
    %mul3A = arith.constant 2 : i32
    %mul3A_0 = arith.muli %arg1, %mul3A : i32
    %add3A = arith.addi %mul3A_0, %arg0 : i32
    %mul3A_1 = arith.constant 512 : i32
    %mul3A_2 = arith.muli %add3A, %mul3A_1 : i32
    %mul3A_3 = arith.constant 4 : i32
    %mul3A_4 = arith.muli %add3A, %mul3A_3 : i32
    "tpu.region"() ({
      %run_scoped3A = tpu.sem_alloc : memref<!tpu.dma_semaphore, #tpu.memory_space<semaphore_mem>>
      %dma_start3A_182 = arith.constant 0 : i32
      %dma_start3A_183 = tpu.memref_slice %arg2[%mul3A_4, %dma_start3A_182] : memref<128x128xi32, #tpu.memory_space<hbm>> -> memref<4x128xi32, #tpu.memory_space<hbm>>
      %dma_start3A_184 = arith.constant 0 : i32
      %dma_start3A_185 = tpu.memref_slice %arg2[%mul3A_4, %dma_start3A_184] : memref<128x128xi32, #tpu.memory_space<hbm>> -> memref<4x128xi32, #tpu.memory_space<hbm>>
      tpu.enqueue_dma source(%dma_start3A_185 : memref<4x128xi32, #tpu.memory_space<hbm>>) target(%arg7 : memref<4x128xi32, #tpu.memory_space<vmem>>) target_semaphore(%run_scoped3A : memref<!tpu.dma_semaphore, #tpu.memory_space<semaphore_mem>>)
      %dma_wait3A_186 = arith.constant 0 : i32
      %dma_wait3A_187 = tpu.memref_slice %arg2[%mul3A_4, %dma_wait3A_186] : memref<128x128xi32, #tpu.memory_space<hbm>> -> memref<4x128xi32, #tpu.memory_space<hbm>>
      %dma_wait3A_188 = arith.constant 0 : i32
      %dma_wait3A_189 = tpu.memref_slice %arg2[%mul3A_4, %dma_wait3A_188] : memref<128x128xi32, #tpu.memory_space<hbm>> -> memref<4x128xi32, #tpu.memory_space<hbm>>
      tpu.wait_dma2 semaphore(%run_scoped3A : memref<!tpu.dma_semaphore, #tpu.memory_space<semaphore_mem>>) src(%dma_wait3A_189 : memref<4x128xi32, #tpu.memory_space<hbm>>) dst(%arg7 : memref<4x128xi32, #tpu.memory_space<vmem>>)
      tpu.yield
    }) : () -> ()
    "tpu.region"() ({
      %run_scoped3A = tpu.sem_alloc : memref<!tpu.dma_semaphore, #tpu.memory_space<semaphore_mem>>
      %dma_start3A_182 = tpu.memref_slice %arg3[%mul3A_2] : memref<16384xi32, #tpu.memory_space<hbm>> -> memref<512xi32, #tpu.memory_space<hbm>>
      %dma_start3A_183 = tpu.memref_slice %arg3[%mul3A_2] : memref<16384xi32, #tpu.memory_space<hbm>> -> memref<512xi32, #tpu.memory_space<hbm>>
      tpu.enqueue_dma source(%dma_start3A_183 : memref<512xi32, #tpu.memory_space<hbm>>) target(%arg8 : memref<512xi32, #tpu.memory_space<vmem>>) target_semaphore(%run_scoped3A : memref<!tpu.dma_semaphore, #tpu.memory_space<semaphore_mem>>)
      %dma_wait3A_184 = tpu.memref_slice %arg3[%mul3A_2] : memref<16384xi32, #tpu.memory_space<hbm>> -> memref<512xi32, #tpu.memory_space<hbm>>
      %dma_wait3A_185 = tpu.memref_slice %arg3[%mul3A_2] : memref<16384xi32, #tpu.memory_space<hbm>> -> memref<512xi32, #tpu.memory_space<hbm>>
      tpu.wait_dma2 semaphore(%run_scoped3A : memref<!tpu.dma_semaphore, #tpu.memory_space<semaphore_mem>>) src(%dma_wait3A_185 : memref<512xi32, #tpu.memory_space<hbm>>) dst(%arg8 : memref<512xi32, #tpu.memory_space<vmem>>)
      tpu.yield
    }) : () -> ()
    "tpu.region"() ({
      %run_scoped3A = tpu.sem_alloc : memref<!tpu.dma_semaphore, #tpu.memory_space<semaphore_mem>>
      tpu.enqueue_dma source(%arg5 : memref<32xf32, #tpu.memory_space<hbm>>) target(%arg9 : memref<32xf32, #tpu.memory_space<vmem>>) target_semaphore(%run_scoped3A : memref<!tpu.dma_semaphore, #tpu.memory_space<semaphore_mem>>)
      tpu.wait_dma2 semaphore(%run_scoped3A : memref<!tpu.dma_semaphore, #tpu.memory_space<semaphore_mem>>) src(%arg5 : memref<32xf32, #tpu.memory_space<hbm>>) dst(%arg9 : memref<32xf32, #tpu.memory_space<vmem>>)
      tpu.yield
    }) : () -> ()
    %dma_start3A = arith.constant 0 : i32
    %dma_start3A_5 = arith.constant 0 : i32
    %dma_start3A_6 = arith.constant 0 : i32
    %dma_start3A_7 = tpu.memref_slice %arg10[%dma_start3A_5, %dma_start3A_6] : memref<512x32xf32, #tpu.memory_space<vmem>> -> memref<128x32xf32, #tpu.memory_space<vmem>>
    %dma_start3A_8 = arith.constant 0 : i32
    %dma_start3A_9 = tpu.memref_slice %arg7[%dma_start3A, %dma_start3A_8] : memref<4x128xi32, #tpu.memory_space<vmem>> -> memref<1x128xi32, #tpu.memory_space<vmem>>
    %dma_start3A_10 = tpu.memref_squeeze %dma_start3A_9 : memref<1x128xi32, #tpu.memory_space<vmem>> -> memref<128xi32, #tpu.memory_space<vmem>>
    %dma_start3A_11 = arith.constant 0 : i32
    %dma_start3A_12 = arith.constant 0 : i32
    %dma_start3A_13 = tpu.memref_slice %arg4[%dma_start3A_11, %dma_start3A_12] : memref<1000000x32xf32, #tpu.memory_space<hbm>> -> memref<1000000x32xf32, #tpu.memory_space<hbm>>
    tpu.enqueue_indirect_dma source(%dma_start3A_13 : memref<1000000x32xf32, #tpu.memory_space<hbm>>) target(%dma_start3A_7 : memref<128x32xf32, #tpu.memory_space<vmem>>) offsets(%dma_start3A_10 : memref<128xi32, #tpu.memory_space<vmem>>) semaphore(%arg11 : memref<!tpu.dma_semaphore, #tpu.memory_space<semaphore_mem>>)
    %dma_start3A_14 = arith.constant 1 : i32
    %dma_start3A_15 = arith.constant 128 : i32
    %dma_start3A_16 = arith.constant 0 : i32
    %dma_start3A_17 = tpu.memref_slice %arg10[%dma_start3A_15, %dma_start3A_16] : memref<512x32xf32, #tpu.memory_space<vmem>> -> memref<128x32xf32, #tpu.memory_space<vmem>>
    %dma_start3A_18 = arith.constant 0 : i32
    %dma_start3A_19 = tpu.memref_slice %arg7[%dma_start3A_14, %dma_start3A_18] : memref<4x128xi32, #tpu.memory_space<vmem>> -> memref<1x128xi32, #tpu.memory_space<vmem>>
    %dma_start3A_20 = tpu.memref_squeeze %dma_start3A_19 : memref<1x128xi32, #tpu.memory_space<vmem>> -> memref<128xi32, #tpu.memory_space<vmem>>
    %dma_start3A_21 = arith.constant 0 : i32
    %dma_start3A_22 = arith.constant 0 : i32
    %dma_start3A_23 = tpu.memref_slice %arg4[%dma_start3A_21, %dma_start3A_22] : memref<1000000x32xf32, #tpu.memory_space<hbm>> -> memref<1000000x32xf32, #tpu.memory_space<hbm>>
    tpu.enqueue_indirect_dma source(%dma_start3A_23 : memref<1000000x32xf32, #tpu.memory_space<hbm>>) target(%dma_start3A_17 : memref<128x32xf32, #tpu.memory_space<vmem>>) offsets(%dma_start3A_20 : memref<128xi32, #tpu.memory_space<vmem>>) semaphore(%arg11 : memref<!tpu.dma_semaphore, #tpu.memory_space<semaphore_mem>>)
    %dma_start3A_24 = arith.constant 2 : i32
    %dma_start3A_25 = arith.constant 256 : i32
    %dma_start3A_26 = arith.constant 0 : i32
    %dma_start3A_27 = tpu.memref_slice %arg10[%dma_start3A_25, %dma_start3A_26] : memref<512x32xf32, #tpu.memory_space<vmem>> -> memref<128x32xf32, #tpu.memory_space<vmem>>
    %dma_start3A_28 = arith.constant 0 : i32
    %dma_start3A_29 = tpu.memref_slice %arg7[%dma_start3A_24, %dma_start3A_28] : memref<4x128xi32, #tpu.memory_space<vmem>> -> memref<1x128xi32, #tpu.memory_space<vmem>>
    %dma_start3A_30 = tpu.memref_squeeze %dma_start3A_29 : memref<1x128xi32, #tpu.memory_space<vmem>> -> memref<128xi32, #tpu.memory_space<vmem>>
    %dma_start3A_31 = arith.constant 0 : i32
    %dma_start3A_32 = arith.constant 0 : i32
    %dma_start3A_33 = tpu.memref_slice %arg4[%dma_start3A_31, %dma_start3A_32] : memref<1000000x32xf32, #tpu.memory_space<hbm>> -> memref<1000000x32xf32, #tpu.memory_space<hbm>>
    tpu.enqueue_indirect_dma source(%dma_start3A_33 : memref<1000000x32xf32, #tpu.memory_space<hbm>>) target(%dma_start3A_27 : memref<128x32xf32, #tpu.memory_space<vmem>>) offsets(%dma_start3A_30 : memref<128xi32, #tpu.memory_space<vmem>>) semaphore(%arg11 : memref<!tpu.dma_semaphore, #tpu.memory_space<semaphore_mem>>)
    %dma_start3A_34 = arith.constant 3 : i32
    %dma_start3A_35 = arith.constant 384 : i32
    %dma_start3A_36 = arith.constant 0 : i32
    %dma_start3A_37 = tpu.memref_slice %arg10[%dma_start3A_35, %dma_start3A_36] : memref<512x32xf32, #tpu.memory_space<vmem>> -> memref<128x32xf32, #tpu.memory_space<vmem>>
    %dma_start3A_38 = arith.constant 0 : i32
    %dma_start3A_39 = tpu.memref_slice %arg7[%dma_start3A_34, %dma_start3A_38] : memref<4x128xi32, #tpu.memory_space<vmem>> -> memref<1x128xi32, #tpu.memory_space<vmem>>
    %dma_start3A_40 = tpu.memref_squeeze %dma_start3A_39 : memref<1x128xi32, #tpu.memory_space<vmem>> -> memref<128xi32, #tpu.memory_space<vmem>>
    %dma_start3A_41 = arith.constant 0 : i32
    %dma_start3A_42 = arith.constant 0 : i32
    %dma_start3A_43 = tpu.memref_slice %arg4[%dma_start3A_41, %dma_start3A_42] : memref<1000000x32xf32, #tpu.memory_space<hbm>> -> memref<1000000x32xf32, #tpu.memory_space<hbm>>
    tpu.enqueue_indirect_dma source(%dma_start3A_43 : memref<1000000x32xf32, #tpu.memory_space<hbm>>) target(%dma_start3A_37 : memref<128x32xf32, #tpu.memory_space<vmem>>) offsets(%dma_start3A_40 : memref<128xi32, #tpu.memory_space<vmem>>) semaphore(%arg11 : memref<!tpu.dma_semaphore, #tpu.memory_space<semaphore_mem>>)
    %dma_wait3A = arith.constant 0 : i32
    %dma_wait3A_44 = arith.constant 0 : i32
    %dma_wait3A_45 = arith.constant 0 : i32
    %dma_wait3A_46 = tpu.memref_slice %arg10[%dma_wait3A_44, %dma_wait3A_45] : memref<512x32xf32, #tpu.memory_space<vmem>> -> memref<128x32xf32, #tpu.memory_space<vmem>>
    %dma_wait3A_47 = arith.constant 0 : i32
    %dma_wait3A_48 = tpu.memref_slice %arg7[%dma_wait3A, %dma_wait3A_47] : memref<4x128xi32, #tpu.memory_space<vmem>> -> memref<1x128xi32, #tpu.memory_space<vmem>>
    %dma_wait3A_49 = tpu.memref_squeeze %dma_wait3A_48 : memref<1x128xi32, #tpu.memory_space<vmem>> -> memref<128xi32, #tpu.memory_space<vmem>>
    %dma_wait3A_50 = arith.constant 0 : i32
    %dma_wait3A_51 = arith.constant 0 : i32
    %dma_wait3A_52 = tpu.memref_slice %arg4[%dma_wait3A_50, %dma_wait3A_51] : memref<1000000x32xf32, #tpu.memory_space<hbm>> -> memref<1000000x32xf32, #tpu.memory_space<hbm>>
    tpu.wait_indirect_dma semaphore(%arg11 : memref<!tpu.dma_semaphore, #tpu.memory_space<semaphore_mem>>) src(%dma_wait3A_52 : memref<1000000x32xf32, #tpu.memory_space<hbm>>) dst(%dma_wait3A_46 : memref<128x32xf32, #tpu.memory_space<vmem>>)
    %dma_wait3A_53 = arith.constant 1 : i32
    %dma_wait3A_54 = arith.constant 128 : i32
    %dma_wait3A_55 = arith.constant 0 : i32
    %dma_wait3A_56 = tpu.memref_slice %arg10[%dma_wait3A_54, %dma_wait3A_55] : memref<512x32xf32, #tpu.memory_space<vmem>> -> memref<128x32xf32, #tpu.memory_space<vmem>>
    %dma_wait3A_57 = arith.constant 0 : i32
    %dma_wait3A_58 = tpu.memref_slice %arg7[%dma_wait3A_53, %dma_wait3A_57] : memref<4x128xi32, #tpu.memory_space<vmem>> -> memref<1x128xi32, #tpu.memory_space<vmem>>
    %dma_wait3A_59 = tpu.memref_squeeze %dma_wait3A_58 : memref<1x128xi32, #tpu.memory_space<vmem>> -> memref<128xi32, #tpu.memory_space<vmem>>
    %dma_wait3A_60 = arith.constant 0 : i32
    %dma_wait3A_61 = arith.constant 0 : i32
    %dma_wait3A_62 = tpu.memref_slice %arg4[%dma_wait3A_60, %dma_wait3A_61] : memref<1000000x32xf32, #tpu.memory_space<hbm>> -> memref<1000000x32xf32, #tpu.memory_space<hbm>>
    tpu.wait_indirect_dma semaphore(%arg11 : memref<!tpu.dma_semaphore, #tpu.memory_space<semaphore_mem>>) src(%dma_wait3A_62 : memref<1000000x32xf32, #tpu.memory_space<hbm>>) dst(%dma_wait3A_56 : memref<128x32xf32, #tpu.memory_space<vmem>>)
    %dma_wait3A_63 = arith.constant 2 : i32
    %dma_wait3A_64 = arith.constant 256 : i32
    %dma_wait3A_65 = arith.constant 0 : i32
    %dma_wait3A_66 = tpu.memref_slice %arg10[%dma_wait3A_64, %dma_wait3A_65] : memref<512x32xf32, #tpu.memory_space<vmem>> -> memref<128x32xf32, #tpu.memory_space<vmem>>
    %dma_wait3A_67 = arith.constant 0 : i32
    %dma_wait3A_68 = tpu.memref_slice %arg7[%dma_wait3A_63, %dma_wait3A_67] : memref<4x128xi32, #tpu.memory_space<vmem>> -> memref<1x128xi32, #tpu.memory_space<vmem>>
    %dma_wait3A_69 = tpu.memref_squeeze %dma_wait3A_68 : memref<1x128xi32, #tpu.memory_space<vmem>> -> memref<128xi32, #tpu.memory_space<vmem>>
    %dma_wait3A_70 = arith.constant 0 : i32
    %dma_wait3A_71 = arith.constant 0 : i32
    %dma_wait3A_72 = tpu.memref_slice %arg4[%dma_wait3A_70, %dma_wait3A_71] : memref<1000000x32xf32, #tpu.memory_space<hbm>> -> memref<1000000x32xf32, #tpu.memory_space<hbm>>
    tpu.wait_indirect_dma semaphore(%arg11 : memref<!tpu.dma_semaphore, #tpu.memory_space<semaphore_mem>>) src(%dma_wait3A_72 : memref<1000000x32xf32, #tpu.memory_space<hbm>>) dst(%dma_wait3A_66 : memref<128x32xf32, #tpu.memory_space<vmem>>)
    %dma_wait3A_73 = arith.constant 3 : i32
    %dma_wait3A_74 = arith.constant 384 : i32
    %dma_wait3A_75 = arith.constant 0 : i32
    %dma_wait3A_76 = tpu.memref_slice %arg10[%dma_wait3A_74, %dma_wait3A_75] : memref<512x32xf32, #tpu.memory_space<vmem>> -> memref<128x32xf32, #tpu.memory_space<vmem>>
    %dma_wait3A_77 = arith.constant 0 : i32
    %dma_wait3A_78 = tpu.memref_slice %arg7[%dma_wait3A_73, %dma_wait3A_77] : memref<4x128xi32, #tpu.memory_space<vmem>> -> memref<1x128xi32, #tpu.memory_space<vmem>>
    %dma_wait3A_79 = tpu.memref_squeeze %dma_wait3A_78 : memref<1x128xi32, #tpu.memory_space<vmem>> -> memref<128xi32, #tpu.memory_space<vmem>>
    %dma_wait3A_80 = arith.constant 0 : i32
    %dma_wait3A_81 = arith.constant 0 : i32
    %dma_wait3A_82 = tpu.memref_slice %arg4[%dma_wait3A_80, %dma_wait3A_81] : memref<1000000x32xf32, #tpu.memory_space<hbm>> -> memref<1000000x32xf32, #tpu.memory_space<hbm>>
    tpu.wait_indirect_dma semaphore(%arg11 : memref<!tpu.dma_semaphore, #tpu.memory_space<semaphore_mem>>) src(%dma_wait3A_82 : memref<1000000x32xf32, #tpu.memory_space<hbm>>) dst(%dma_wait3A_76 : memref<128x32xf32, #tpu.memory_space<vmem>>)
    %iota3A = tpu.iota {dimensions = array<i32: 0>} : vector<16xi32>
    %broadcast_in_dim3A = arith.constant 0 : i32
    %broadcast_in_dim3A_83 = vector.broadcast %broadcast_in_dim3A : i32 to vector<16xi32>
    %gather3A = tpu.vector_load_idx %arg9[%broadcast_in_dim3A_83] : memref<32xf32, #tpu.memory_space<vmem>>[vector<16xi32>], vector<16xf32>,
    %broadcast_in_dim3A_84 = arith.constant 1 : i32
    %broadcast_in_dim3A_85 = vector.broadcast %broadcast_in_dim3A_84 : i32 to vector<16xi32>
    %gather3A_86 = tpu.vector_load_idx %arg9[%broadcast_in_dim3A_85] : memref<32xf32, #tpu.memory_space<vmem>>[vector<16xi32>], vector<16xf32>,
    %broadcast_in_dim3A_87 = arith.constant 2 : i32
    %broadcast_in_dim3A_88 = vector.broadcast %broadcast_in_dim3A_87 : i32 to vector<16xi32>
    %gather3A_89 = tpu.vector_load_idx %arg9[%broadcast_in_dim3A_88] : memref<32xf32, #tpu.memory_space<vmem>>[vector<16xi32>], vector<16xf32>,
    %broadcast_in_dim3A_90 = arith.constant 3 : i32
    %broadcast_in_dim3A_91 = vector.broadcast %broadcast_in_dim3A_90 : i32 to vector<16xi32>
    %gather3A_92 = tpu.vector_load_idx %arg9[%broadcast_in_dim3A_91] : memref<32xf32, #tpu.memory_space<vmem>>[vector<16xi32>], vector<16xf32>,
    %broadcast_in_dim3A_93 = arith.constant 4 : i32
    %broadcast_in_dim3A_94 = vector.broadcast %broadcast_in_dim3A_93 : i32 to vector<16xi32>
    %gather3A_95 = tpu.vector_load_idx %arg9[%broadcast_in_dim3A_94] : memref<32xf32, #tpu.memory_space<vmem>>[vector<16xi32>], vector<16xf32>,
    %broadcast_in_dim3A_96 = arith.constant 5 : i32
    %broadcast_in_dim3A_97 = vector.broadcast %broadcast_in_dim3A_96 : i32 to vector<16xi32>
    %gather3A_98 = tpu.vector_load_idx %arg9[%broadcast_in_dim3A_97] : memref<32xf32, #tpu.memory_space<vmem>>[vector<16xi32>], vector<16xf32>,
    %broadcast_in_dim3A_99 = arith.constant 6 : i32
    %broadcast_in_dim3A_100 = vector.broadcast %broadcast_in_dim3A_99 : i32 to vector<16xi32>
    %gather3A_101 = tpu.vector_load_idx %arg9[%broadcast_in_dim3A_100] : memref<32xf32, #tpu.memory_space<vmem>>[vector<16xi32>], vector<16xf32>,
    %broadcast_in_dim3A_102 = arith.constant 7 : i32
    %broadcast_in_dim3A_103 = vector.broadcast %broadcast_in_dim3A_102 : i32 to vector<16xi32>
    %gather3A_104 = tpu.vector_load_idx %arg9[%broadcast_in_dim3A_103] : memref<32xf32, #tpu.memory_space<vmem>>[vector<16xi32>], vector<16xf32>,
    %broadcast_in_dim3A_105 = arith.constant 8 : i32
    %broadcast_in_dim3A_106 = vector.broadcast %broadcast_in_dim3A_105 : i32 to vector<16xi32>
    %gather3A_107 = tpu.vector_load_idx %arg9[%broadcast_in_dim3A_106] : memref<32xf32, #tpu.memory_space<vmem>>[vector<16xi32>], vector<16xf32>,
    %broadcast_in_dim3A_108 = arith.constant 9 : i32
    %broadcast_in_dim3A_109 = vector.broadcast %broadcast_in_dim3A_108 : i32 to vector<16xi32>
    %gather3A_110 = tpu.vector_load_idx %arg9[%broadcast_in_dim3A_109] : memref<32xf32, #tpu.memory_space<vmem>>[vector<16xi32>], vector<16xf32>,
    %broadcast_in_dim3A_111 = arith.constant 10 : i32
    %broadcast_in_dim3A_112 = vector.broadcast %broadcast_in_dim3A_111 : i32 to vector<16xi32>
    %gather3A_113 = tpu.vector_load_idx %arg9[%broadcast_in_dim3A_112] : memref<32xf32, #tpu.memory_space<vmem>>[vector<16xi32>], vector<16xf32>,
    %broadcast_in_dim3A_114 = arith.constant 11 : i32
    %broadcast_in_dim3A_115 = vector.broadcast %broadcast_in_dim3A_114 : i32 to vector<16xi32>
    %gather3A_116 = tpu.vector_load_idx %arg9[%broadcast_in_dim3A_115] : memref<32xf32, #tpu.memory_space<vmem>>[vector<16xi32>], vector<16xf32>,
    %broadcast_in_dim3A_117 = arith.constant 12 : i32
    %broadcast_in_dim3A_118 = vector.broadcast %broadcast_in_dim3A_117 : i32 to vector<16xi32>
    %gather3A_119 = tpu.vector_load_idx %arg9[%broadcast_in_dim3A_118] : memref<32xf32, #tpu.memory_space<vmem>>[vector<16xi32>], vector<16xf32>,
    %broadcast_in_dim3A_120 = arith.constant 13 : i32
    %broadcast_in_dim3A_121 = vector.broadcast %broadcast_in_dim3A_120 : i32 to vector<16xi32>
    %gather3A_122 = tpu.vector_load_idx %arg9[%broadcast_in_dim3A_121] : memref<32xf32, #tpu.memory_space<vmem>>[vector<16xi32>], vector<16xf32>,
    %broadcast_in_dim3A_123 = arith.constant 14 : i32
    %broadcast_in_dim3A_124 = vector.broadcast %broadcast_in_dim3A_123 : i32 to vector<16xi32>
    %gather3A_125 = tpu.vector_load_idx %arg9[%broadcast_in_dim3A_124] : memref<32xf32, #tpu.memory_space<vmem>>[vector<16xi32>], vector<16xf32>,
    %broadcast_in_dim3A_126 = arith.constant 15 : i32
    %broadcast_in_dim3A_127 = vector.broadcast %broadcast_in_dim3A_126 : i32 to vector<16xi32>
    %gather3A_128 = tpu.vector_load_idx %arg9[%broadcast_in_dim3A_127] : memref<32xf32, #tpu.memory_space<vmem>>[vector<16xi32>], vector<16xf32>,
    %broadcast_in_dim3A_129 = arith.constant 16 : i32
    %broadcast_in_dim3A_130 = vector.broadcast %broadcast_in_dim3A_129 : i32 to vector<16xi32>
    %gather3A_131 = tpu.vector_load_idx %arg9[%broadcast_in_dim3A_130] : memref<32xf32, #tpu.memory_space<vmem>>[vector<16xi32>], vector<16xf32>,
    %broadcast_in_dim3A_132 = arith.constant 17 : i32
    %broadcast_in_dim3A_133 = vector.broadcast %broadcast_in_dim3A_132 : i32 to vector<16xi32>
    %gather3A_134 = tpu.vector_load_idx %arg9[%broadcast_in_dim3A_133] : memref<32xf32, #tpu.memory_space<vmem>>[vector<16xi32>], vector<16xf32>,
    %broadcast_in_dim3A_135 = arith.constant 18 : i32
    %broadcast_in_dim3A_136 = vector.broadcast %broadcast_in_dim3A_135 : i32 to vector<16xi32>
    %gather3A_137 = tpu.vector_load_idx %arg9[%broadcast_in_dim3A_136] : memref<32xf32, #tpu.memory_space<vmem>>[vector<16xi32>], vector<16xf32>,
    %broadcast_in_dim3A_138 = arith.constant 19 : i32
    %broadcast_in_dim3A_139 = vector.broadcast %broadcast_in_dim3A_138 : i32 to vector<16xi32>
    %gather3A_140 = tpu.vector_load_idx %arg9[%broadcast_in_dim3A_139] : memref<32xf32, #tpu.memory_space<vmem>>[vector<16xi32>], vector<16xf32>,
    %broadcast_in_dim3A_141 = arith.constant 20 : i32
    %broadcast_in_dim3A_142 = vector.broadcast %broadcast_in_dim3A_141 : i32 to vector<16xi32>
    %gather3A_143 = tpu.vector_load_idx %arg9[%broadcast_in_dim3A_142] : memref<32xf32, #tpu.memory_space<vmem>>[vector<16xi32>], vector<16xf32>,
    %broadcast_in_dim3A_144 = arith.constant 21 : i32
    %broadcast_in_dim3A_145 = vector.broadcast %broadcast_in_dim3A_144 : i32 to vector<16xi32>
    %gather3A_146 = tpu.vector_load_idx %arg9[%broadcast_in_dim3A_145] : memref<32xf32, #tpu.memory_space<vmem>>[vector<16xi32>], vector<16xf32>,
    %broadcast_in_dim3A_147 = arith.constant 22 : i32
    %broadcast_in_dim3A_148 = vector.broadcast %broadcast_in_dim3A_147 : i32 to vector<16xi32>
    %gather3A_149 = tpu.vector_load_idx %arg9[%broadcast_in_dim3A_148] : memref<32xf32, #tpu.memory_space<vmem>>[vector<16xi32>], vector<16xf32>,
    %broadcast_in_dim3A_150 = arith.constant 23 : i32
    %broadcast_in_dim3A_151 = vector.broadcast %broadcast_in_dim3A_150 : i32 to vector<16xi32>
    %gather3A_152 = tpu.vector_load_idx %arg9[%broadcast_in_dim3A_151] : memref<32xf32, #tpu.memory_space<vmem>>[vector<16xi32>], vector<16xf32>,
    %broadcast_in_dim3A_153 = arith.constant 24 : i32
    %broadcast_in_dim3A_154 = vector.broadcast %broadcast_in_dim3A_153 : i32 to vector<16xi32>
    %gather3A_155 = tpu.vector_load_idx %arg9[%broadcast_in_dim3A_154] : memref<32xf32, #tpu.memory_space<vmem>>[vector<16xi32>], vector<16xf32>,
    %broadcast_in_dim3A_156 = arith.constant 25 : i32
    %broadcast_in_dim3A_157 = vector.broadcast %broadcast_in_dim3A_156 : i32 to vector<16xi32>
    %gather3A_158 = tpu.vector_load_idx %arg9[%broadcast_in_dim3A_157] : memref<32xf32, #tpu.memory_space<vmem>>[vector<16xi32>], vector<16xf32>,
    %broadcast_in_dim3A_159 = arith.constant 26 : i32
    %broadcast_in_dim3A_160 = vector.broadcast %broadcast_in_dim3A_159 : i32 to vector<16xi32>
    %gather3A_161 = tpu.vector_load_idx %arg9[%broadcast_in_dim3A_160] : memref<32xf32, #tpu.memory_space<vmem>>[vector<16xi32>], vector<16xf32>,
    %broadcast_in_dim3A_162 = arith.constant 27 : i32
    %broadcast_in_dim3A_163 = vector.broadcast %broadcast_in_dim3A_162 : i32 to vector<16xi32>
    %gather3A_164 = tpu.vector_load_idx %arg9[%broadcast_in_dim3A_163] : memref<32xf32, #tpu.memory_space<vmem>>[vector<16xi32>], vector<16xf32>,
    %broadcast_in_dim3A_165 = arith.constant 28 : i32
    %broadcast_in_dim3A_166 = vector.broadcast %broadcast_in_dim3A_165 : i32 to vector<16xi32>
    %gather3A_167 = tpu.vector_load_idx %arg9[%broadcast_in_dim3A_166] : memref<32xf32, #tpu.memory_space<vmem>>[vector<16xi32>], vector<16xf32>,
    %broadcast_in_dim3A_168 = arith.constant 29 : i32
    %broadcast_in_dim3A_169 = vector.broadcast %broadcast_in_dim3A_168 : i32 to vector<16xi32>
    %gather3A_170 = tpu.vector_load_idx %arg9[%broadcast_in_dim3A_169] : memref<32xf32, #tpu.memory_space<vmem>>[vector<16xi32>], vector<16xf32>,
    %broadcast_in_dim3A_171 = arith.constant 30 : i32
    %broadcast_in_dim3A_172 = vector.broadcast %broadcast_in_dim3A_171 : i32 to vector<16xi32>
    %gather3A_173 = tpu.vector_load_idx %arg9[%broadcast_in_dim3A_172] : memref<32xf32, #tpu.memory_space<vmem>>[vector<16xi32>], vector<16xf32>,
    %broadcast_in_dim3A_174 = arith.constant 31 : i32
    %broadcast_in_dim3A_175 = vector.broadcast %broadcast_in_dim3A_174 : i32 to vector<16xi32>
    %gather3A_176 = tpu.vector_load_idx %arg9[%broadcast_in_dim3A_175] : memref<32xf32, #tpu.memory_space<vmem>>[vector<16xi32>], vector<16xf32>,
    %scan3A = arith.constant 0 : i32
    %scan3A_177 = arith.constant 0 : i32
    %scan3A_178 = arith.constant 32 : i32
    %scan3A_179 = arith.addi %scan3A_177, %scan3A_178 : i32
    %scan3A_180 = arith.constant 1 : i32
    scf.for %scan3A_182 = %scan3A_177 to %scan3A_179 step %scan3A_180  : i32 {
      %mul3A_183 = arith.constant 16 : i32
      %mul3A_184 = arith.muli %scan3A_182, %mul3A_183 : i32
      %get3A = arith.index_cast %mul3A_184 : i32 to index
      %get3A_185 = tpu.vector_load %arg8[%get3A] {strides = array<i32>} : memref<512xi32, #tpu.memory_space<vmem>>, vector<16xi32>,
      %ne3A = arith.constant 0 : i32
      %ne3A_186 = vector.broadcast %ne3A : i32 to vector<16xi32>
      %ne3A_187 = arith.cmpi ne, %get3A_185, %ne3A_186 : vector<16xi32>
      %mul3A_188 = arith.constant 16 : i32
      %mul3A_189 = arith.muli %scan3A_182, %mul3A_188 : i32
      %add3A_190 = vector.broadcast %mul3A_189 : i32 to vector<16xi32>
      %add3A_191 = arith.addi %add3A_190, %iota3A : vector<16xi32>
      %broadcast_in_dim3A_192 = arith.constant 0 : i32
      %broadcast_in_dim3A_193 = vector.broadcast %broadcast_in_dim3A_192 : i32 to vector<16xi32>
      tpu.vector_store_idx %arg10[%add3A_191, %broadcast_in_dim3A_193], %gather3A masked %ne3A_187 : memref<512x32xf32, #tpu.memory_space<vmem>>[vector<16xi32>, vector<16xi32>], vector<16xf32>, vector<16xi1>
      %broadcast_in_dim3A_194 = arith.constant 1 : i32
      %broadcast_in_dim3A_195 = vector.broadcast %broadcast_in_dim3A_194 : i32 to vector<16xi32>
      tpu.vector_store_idx %arg10[%add3A_191, %broadcast_in_dim3A_195], %gather3A_86 masked %ne3A_187 : memref<512x32xf32, #tpu.memory_space<vmem>>[vector<16xi32>, vector<16xi32>], vector<16xf32>, vector<16xi1>
      %broadcast_in_dim3A_196 = arith.constant 2 : i32
      %broadcast_in_dim3A_197 = vector.broadcast %broadcast_in_dim3A_196 : i32 to vector<16xi32>
      tpu.vector_store_idx %arg10[%add3A_191, %broadcast_in_dim3A_197], %gather3A_89 masked %ne3A_187 : memref<512x32xf32, #tpu.memory_space<vmem>>[vector<16xi32>, vector<16xi32>], vector<16xf32>, vector<16xi1>
      %broadcast_in_dim3A_198 = arith.constant 3 : i32
      %broadcast_in_dim3A_199 = vector.broadcast %broadcast_in_dim3A_198 : i32 to vector<16xi32>
      tpu.vector_store_idx %arg10[%add3A_191, %broadcast_in_dim3A_199], %gather3A_92 masked %ne3A_187 : memref<512x32xf32, #tpu.memory_space<vmem>>[vector<16xi32>, vector<16xi32>], vector<16xf32>, vector<16xi1>
      %broadcast_in_dim3A_200 = arith.constant 4 : i32
      %broadcast_in_dim3A_201 = vector.broadcast %broadcast_in_dim3A_200 : i32 to vector<16xi32>
      tpu.vector_store_idx %arg10[%add3A_191, %broadcast_in_dim3A_201], %gather3A_95 masked %ne3A_187 : memref<512x32xf32, #tpu.memory_space<vmem>>[vector<16xi32>, vector<16xi32>], vector<16xf32>, vector<16xi1>
      %broadcast_in_dim3A_202 = arith.constant 5 : i32
      %broadcast_in_dim3A_203 = vector.broadcast %broadcast_in_dim3A_202 : i32 to vector<16xi32>
      tpu.vector_store_idx %arg10[%add3A_191, %broadcast_in_dim3A_203], %gather3A_98 masked %ne3A_187 : memref<512x32xf32, #tpu.memory_space<vmem>>[vector<16xi32>, vector<16xi32>], vector<16xf32>, vector<16xi1>
      %broadcast_in_dim3A_204 = arith.constant 6 : i32
      %broadcast_in_dim3A_205 = vector.broadcast %broadcast_in_dim3A_204 : i32 to vector<16xi32>
      tpu.vector_store_idx %arg10[%add3A_191, %broadcast_in_dim3A_205], %gather3A_101 masked %ne3A_187 : memref<512x32xf32, #tpu.memory_space<vmem>>[vector<16xi32>, vector<16xi32>], vector<16xf32>, vector<16xi1>
      %broadcast_in_dim3A_206 = arith.constant 7 : i32
      %broadcast_in_dim3A_207 = vector.broadcast %broadcast_in_dim3A_206 : i32 to vector<16xi32>
      tpu.vector_store_idx %arg10[%add3A_191, %broadcast_in_dim3A_207], %gather3A_104 masked %ne3A_187 : memref<512x32xf32, #tpu.memory_space<vmem>>[vector<16xi32>, vector<16xi32>], vector<16xf32>, vector<16xi1>
      %broadcast_in_dim3A_208 = arith.constant 8 : i32
      %broadcast_in_dim3A_209 = vector.broadcast %broadcast_in_dim3A_208 : i32 to vector<16xi32>
      tpu.vector_store_idx %arg10[%add3A_191, %broadcast_in_dim3A_209], %gather3A_107 masked %ne3A_187 : memref<512x32xf32, #tpu.memory_space<vmem>>[vector<16xi32>, vector<16xi32>], vector<16xf32>, vector<16xi1>
      %broadcast_in_dim3A_210 = arith.constant 9 : i32
      %broadcast_in_dim3A_211 = vector.broadcast %broadcast_in_dim3A_210 : i32 to vector<16xi32>
      tpu.vector_store_idx %arg10[%add3A_191, %broadcast_in_dim3A_211], %gather3A_110 masked %ne3A_187 : memref<512x32xf32, #tpu.memory_space<vmem>>[vector<16xi32>, vector<16xi32>], vector<16xf32>, vector<16xi1>
      %broadcast_in_dim3A_212 = arith.constant 10 : i32
      %broadcast_in_dim3A_213 = vector.broadcast %broadcast_in_dim3A_212 : i32 to vector<16xi32>
      tpu.vector_store_idx %arg10[%add3A_191, %broadcast_in_dim3A_213], %gather3A_113 masked %ne3A_187 : memref<512x32xf32, #tpu.memory_space<vmem>>[vector<16xi32>, vector<16xi32>], vector<16xf32>, vector<16xi1>
      %broadcast_in_dim3A_214 = arith.constant 11 : i32
      %broadcast_in_dim3A_215 = vector.broadcast %broadcast_in_dim3A_214 : i32 to vector<16xi32>
      tpu.vector_store_idx %arg10[%add3A_191, %broadcast_in_dim3A_215], %gather3A_116 masked %ne3A_187 : memref<512x32xf32, #tpu.memory_space<vmem>>[vector<16xi32>, vector<16xi32>], vector<16xf32>, vector<16xi1>
      %broadcast_in_dim3A_216 = arith.constant 12 : i32
      %broadcast_in_dim3A_217 = vector.broadcast %broadcast_in_dim3A_216 : i32 to vector<16xi32>
      tpu.vector_store_idx %arg10[%add3A_191, %broadcast_in_dim3A_217], %gather3A_119 masked %ne3A_187 : memref<512x32xf32, #tpu.memory_space<vmem>>[vector<16xi32>, vector<16xi32>], vector<16xf32>, vector<16xi1>
      %broadcast_in_dim3A_218 = arith.constant 13 : i32
      %broadcast_in_dim3A_219 = vector.broadcast %broadcast_in_dim3A_218 : i32 to vector<16xi32>
      tpu.vector_store_idx %arg10[%add3A_191, %broadcast_in_dim3A_219], %gather3A_122 masked %ne3A_187 : memref<512x32xf32, #tpu.memory_space<vmem>>[vector<16xi32>, vector<16xi32>], vector<16xf32>, vector<16xi1>
      %broadcast_in_dim3A_220 = arith.constant 14 : i32
      %broadcast_in_dim3A_221 = vector.broadcast %broadcast_in_dim3A_220 : i32 to vector<16xi32>
      tpu.vector_store_idx %arg10[%add3A_191, %broadcast_in_dim3A_221], %gather3A_125 masked %ne3A_187 : memref<512x32xf32, #tpu.memory_space<vmem>>[vector<16xi32>, vector<16xi32>], vector<16xf32>, vector<16xi1>
      %broadcast_in_dim3A_222 = arith.constant 15 : i32
      %broadcast_in_dim3A_223 = vector.broadcast %broadcast_in_dim3A_222 : i32 to vector<16xi32>
      tpu.vector_store_idx %arg10[%add3A_191, %broadcast_in_dim3A_223], %gather3A_128 masked %ne3A_187 : memref<512x32xf32, #tpu.memory_space<vmem>>[vector<16xi32>, vector<16xi32>], vector<16xf32>, vector<16xi1>
      %broadcast_in_dim3A_224 = arith.constant 16 : i32
      %broadcast_in_dim3A_225 = vector.broadcast %broadcast_in_dim3A_224 : i32 to vector<16xi32>
      tpu.vector_store_idx %arg10[%add3A_191, %broadcast_in_dim3A_225], %gather3A_131 masked %ne3A_187 : memref<512x32xf32, #tpu.memory_space<vmem>>[vector<16xi32>, vector<16xi32>], vector<16xf32>, vector<16xi1>
      %broadcast_in_dim3A_226 = arith.constant 17 : i32
      %broadcast_in_dim3A_227 = vector.broadcast %broadcast_in_dim3A_226 : i32 to vector<16xi32>
      tpu.vector_store_idx %arg10[%add3A_191, %broadcast_in_dim3A_227], %gather3A_134 masked %ne3A_187 : memref<512x32xf32, #tpu.memory_space<vmem>>[vector<16xi32>, vector<16xi32>], vector<16xf32>, vector<16xi1>
      %broadcast_in_dim3A_228 = arith.constant 18 : i32
      %broadcast_in_dim3A_229 = vector.broadcast %broadcast_in_dim3A_228 : i32 to vector<16xi32>
      tpu.vector_store_idx %arg10[%add3A_191, %broadcast_in_dim3A_229], %gather3A_137 masked %ne3A_187 : memref<512x32xf32, #tpu.memory_space<vmem>>[vector<16xi32>, vector<16xi32>], vector<16xf32>, vector<16xi1>
      %broadcast_in_dim3A_230 = arith.constant 19 : i32
      %broadcast_in_dim3A_231 = vector.broadcast %broadcast_in_dim3A_230 : i32 to vector<16xi32>
      tpu.vector_store_idx %arg10[%add3A_191, %broadcast_in_dim3A_231], %gather3A_140 masked %ne3A_187 : memref<512x32xf32, #tpu.memory_space<vmem>>[vector<16xi32>, vector<16xi32>], vector<16xf32>, vector<16xi1>
      %broadcast_in_dim3A_232 = arith.constant 20 : i32
      %broadcast_in_dim3A_233 = vector.broadcast %broadcast_in_dim3A_232 : i32 to vector<16xi32>
      tpu.vector_store_idx %arg10[%add3A_191, %broadcast_in_dim3A_233], %gather3A_143 masked %ne3A_187 : memref<512x32xf32, #tpu.memory_space<vmem>>[vector<16xi32>, vector<16xi32>], vector<16xf32>, vector<16xi1>
      %broadcast_in_dim3A_234 = arith.constant 21 : i32
      %broadcast_in_dim3A_235 = vector.broadcast %broadcast_in_dim3A_234 : i32 to vector<16xi32>
      tpu.vector_store_idx %arg10[%add3A_191, %broadcast_in_dim3A_235], %gather3A_146 masked %ne3A_187 : memref<512x32xf32, #tpu.memory_space<vmem>>[vector<16xi32>, vector<16xi32>], vector<16xf32>, vector<16xi1>
      %broadcast_in_dim3A_236 = arith.constant 22 : i32
      %broadcast_in_dim3A_237 = vector.broadcast %broadcast_in_dim3A_236 : i32 to vector<16xi32>
      tpu.vector_store_idx %arg10[%add3A_191, %broadcast_in_dim3A_237], %gather3A_149 masked %ne3A_187 : memref<512x32xf32, #tpu.memory_space<vmem>>[vector<16xi32>, vector<16xi32>], vector<16xf32>, vector<16xi1>
      %broadcast_in_dim3A_238 = arith.constant 23 : i32
      %broadcast_in_dim3A_239 = vector.broadcast %broadcast_in_dim3A_238 : i32 to vector<16xi32>
      tpu.vector_store_idx %arg10[%add3A_191, %broadcast_in_dim3A_239], %gather3A_152 masked %ne3A_187 : memref<512x32xf32, #tpu.memory_space<vmem>>[vector<16xi32>, vector<16xi32>], vector<16xf32>, vector<16xi1>
      %broadcast_in_dim3A_240 = arith.constant 24 : i32
      %broadcast_in_dim3A_241 = vector.broadcast %broadcast_in_dim3A_240 : i32 to vector<16xi32>
      tpu.vector_store_idx %arg10[%add3A_191, %broadcast_in_dim3A_241], %gather3A_155 masked %ne3A_187 : memref<512x32xf32, #tpu.memory_space<vmem>>[vector<16xi32>, vector<16xi32>], vector<16xf32>, vector<16xi1>
      %broadcast_in_dim3A_242 = arith.constant 25 : i32
      %broadcast_in_dim3A_243 = vector.broadcast %broadcast_in_dim3A_242 : i32 to vector<16xi32>
      tpu.vector_store_idx %arg10[%add3A_191, %broadcast_in_dim3A_243], %gather3A_158 masked %ne3A_187 : memref<512x32xf32, #tpu.memory_space<vmem>>[vector<16xi32>, vector<16xi32>], vector<16xf32>, vector<16xi1>
      %broadcast_in_dim3A_244 = arith.constant 26 : i32
      %broadcast_in_dim3A_245 = vector.broadcast %broadcast_in_dim3A_244 : i32 to vector<16xi32>
      tpu.vector_store_idx %arg10[%add3A_191, %broadcast_in_dim3A_245], %gather3A_161 masked %ne3A_187 : memref<512x32xf32, #tpu.memory_space<vmem>>[vector<16xi32>, vector<16xi32>], vector<16xf32>, vector<16xi1>
      %broadcast_in_dim3A_246 = arith.constant 27 : i32
      %broadcast_in_dim3A_247 = vector.broadcast %broadcast_in_dim3A_246 : i32 to vector<16xi32>
      tpu.vector_store_idx %arg10[%add3A_191, %broadcast_in_dim3A_247], %gather3A_164 masked %ne3A_187 : memref<512x32xf32, #tpu.memory_space<vmem>>[vector<16xi32>, vector<16xi32>], vector<16xf32>, vector<16xi1>
      %broadcast_in_dim3A_248 = arith.constant 28 : i32
      %broadcast_in_dim3A_249 = vector.broadcast %broadcast_in_dim3A_248 : i32 to vector<16xi32>
      tpu.vector_store_idx %arg10[%add3A_191, %broadcast_in_dim3A_249], %gather3A_167 masked %ne3A_187 : memref<512x32xf32, #tpu.memory_space<vmem>>[vector<16xi32>, vector<16xi32>], vector<16xf32>, vector<16xi1>
      %broadcast_in_dim3A_250 = arith.constant 29 : i32
      %broadcast_in_dim3A_251 = vector.broadcast %broadcast_in_dim3A_250 : i32 to vector<16xi32>
      tpu.vector_store_idx %arg10[%add3A_191, %broadcast_in_dim3A_251], %gather3A_170 masked %ne3A_187 : memref<512x32xf32, #tpu.memory_space<vmem>>[vector<16xi32>, vector<16xi32>], vector<16xf32>, vector<16xi1>
      %broadcast_in_dim3A_252 = arith.constant 30 : i32
      %broadcast_in_dim3A_253 = vector.broadcast %broadcast_in_dim3A_252 : i32 to vector<16xi32>
      tpu.vector_store_idx %arg10[%add3A_191, %broadcast_in_dim3A_253], %gather3A_173 masked %ne3A_187 : memref<512x32xf32, #tpu.memory_space<vmem>>[vector<16xi32>, vector<16xi32>], vector<16xf32>, vector<16xi1>
      %broadcast_in_dim3A_254 = arith.constant 31 : i32
      %broadcast_in_dim3A_255 = vector.broadcast %broadcast_in_dim3A_254 : i32 to vector<16xi32>
      tpu.vector_store_idx %arg10[%add3A_191, %broadcast_in_dim3A_255], %gather3A_176 masked %ne3A_187 : memref<512x32xf32, #tpu.memory_space<vmem>>[vector<16xi32>, vector<16xi32>], vector<16xf32>, vector<16xi1>
    }
    %scan3A_181 = arith.constant 32 : i32
    "tpu.region"() ({
      %run_scoped3A = tpu.sem_alloc : memref<!tpu.dma_semaphore, #tpu.memory_space<semaphore_mem>>
      %dma_start3A_182 = arith.constant 0 : i32
      %dma_start3A_183 = tpu.memref_slice %arg6[%mul3A_2, %dma_start3A_182] : memref<16384x32xf32, #tpu.memory_space<hbm>> -> memref<512x32xf32, #tpu.memory_space<hbm>>
      %dma_start3A_184 = arith.constant 0 : i32
      %dma_start3A_185 = tpu.memref_slice %arg6[%mul3A_2, %dma_start3A_184] : memref<16384x32xf32, #tpu.memory_space<hbm>> -> memref<512x32xf32, #tpu.memory_space<hbm>>
      tpu.enqueue_dma source(%arg10 : memref<512x32xf32, #tpu.memory_space<vmem>>) target(%dma_start3A_185 : memref<512x32xf32, #tpu.memory_space<hbm>>) target_semaphore(%run_scoped3A : memref<!tpu.dma_semaphore, #tpu.memory_space<semaphore_mem>>)
      %dma_wait3A_186 = arith.constant 0 : i32
      %dma_wait3A_187 = tpu.memref_slice %arg6[%mul3A_2, %dma_wait3A_186] : memref<16384x32xf32, #tpu.memory_space<hbm>> -> memref<512x32xf32, #tpu.memory_space<hbm>>
      %dma_wait3A_188 = arith.constant 0 : i32
      %dma_wait3A_189 = tpu.memref_slice %arg6[%mul3A_2, %dma_wait3A_188] : memref<16384x32xf32, #tpu.memory_space<hbm>> -> memref<512x32xf32, #tpu.memory_space<hbm>>
      tpu.wait_dma2 semaphore(%run_scoped3A : memref<!tpu.dma_semaphore, #tpu.memory_space<semaphore_mem>>) src(%arg10 : memref<512x32xf32, #tpu.memory_space<vmem>>) dst(%dma_wait3A_189 : memref<512x32xf32, #tpu.memory_space<hbm>>)
      tpu.yield
    }) : () -> ()
    return
  }
}

</mosaic_0001>

<sc_bundles>
// kernel: kernel.3.cloned.1.call-start
scs
__scs_entry_jumppad:
0x0: {  	(pc) =	sbr.rel $0x88, $3  }
0x1: {  	(tag) =	ssettag $0x0;
	lr =	simm.s32 $0x1  }
0x2: {  	[smem:$0x3F9D] =	sst lr;
	_ =	strace $0xD0000000  }
0x3: {  	_ = 	snop  }
0x4: {  	_ = 	snop  }
0x5: {  	_ = 	snop  }
0x6: {  	_ = 	snop  }
0x7: {  	_ = 	snop  }
__scs_overlays_trampoline_lowered:
0x8: {  	[smem:$0x3FAC] =	sst s0  }
0x9: {  	[smem:$0x3FAD] =	sst s1  }
0xa: {  	[smem:$0x3FAE] =	sst s2  }
0xb: {  	[smem:$0x3FAF] =	sst s3  }
0xc: {  	[smem:$0x3FB0] =	sst s4  }
0xd: {  	[smem:$0x3FB1] =	sst s5  }
0xe: {  	[smem:$0x3FB2] =	sst s6  }
0xf: {  	[smem:$0x3FB3] =	sst s7  }
0x10: {  	[smem:$0x3FB4] =	sst s8  }
0x11: {  	[smem:$0x3FB5] =	sst s9;
	s0 =	simm.s32 @!p0 $0x0  }
0x12: {  	s1 =	sld [smem:$0x3F9B];
	s0 =	simm.s32 @p0 $0x1  }
0x13: {  	[smem:$0x3FB6] =	sst s0;
	s0 =	simm.s32 @!p1 $0x0  }
0x14: {  	s2 =	sld [smem:$0x3F9A];
	s0 =	simm.s32 @p1 $0x1  }
0x15: {  	[smem:$0x3FB7] =	sst s0;
	s0 =	simm.s32 @!p2 $0x0  }
0x16: {  	s3 =	sld [smem:$0x3FDB];
	s0 =	simm.s32 @p2 $0x1  }
0x17: {  	s4 =	simm.s32 $0x1BF5;
	[smem:$0x3FB9] =	sst s0  }
0x18: {  	s0 =	sld [smem:$0x3F9C];
	_ =	swait.ge [sflag:s4], $0x0  }
0x19: {  	s7 =	sld [smem:$0x3F9D]  }
0x1a: {  	s8 =	sadd.s32 $0xFFFFE003, lr  }
0x1b: {  	s9 =	sadd.s32 $0xFFFFFEF7, lr;
	s5 =	simm.s32 $0xFFFFFFFF;
	p2 =	slt.u32 s8, $0xFFFFF086  }
0x1c: {  	p1 =	slt.u32 s9, $0xF7A;
	s5 =	simm.s32 @!p2 $0x0  }
0x1d: {  	s5 =	simm.s32 @p1 $0x1;
	p0 =	seq.s32 s7, s2  }
0x1e: {  	s7 =	smul.u32 @!p0 $0xF7A, s2;
	p2 =	seq.s32 @!p0 s5, $0x0  }
0x1f: {  	s9 =	smul.u32 $0xF7A, s1;
	s8 =	simm.s32 @!p0 $0x1BF5;
	p2 =	por !p2, p0  }
0x20: {  	[sflag:s8] =	ssyncset.s32 @!p0 $0xFFFFF086;
	s6 =	sadd.s32 @!p0 s3, s7;
	s7 =	simm.s32 @!p0 $0x108  }
0x21: {  	s3 =	sadd.s32 s3, s9;
	s6 =	sadd.s32 @!p0 $0x88, s6;
	s7 =	simm.s32 @p2 $0x1082  }
0x22: {  	[simem:s7], [sflag:s8] =	dma.local @!p0 [hbm:s6], $0xF7A  }
0x23: {  	s9 =	sor.u32 $0xD0000000, s2;
	s6 =	simm.s32 $0x108;
	_ =	swait.ge @!p0 [sflag:s8], $0x0  }
0x24: {  	s3 =	sadd.s32 $0x88, s3;
	s6 =	simm.s32 @!p1 $0x1082;
	[sflag:s4] =	ssyncset.s32 $0xFFFFF086  }
0x25: {  	[simem:s6], [sflag:s4] =	dma.local [hbm:s3], $0xF7A  }
0x26: {  	[smem:$0x3F9D] =	sst s1;
	(tag) =	ssettag s2;
	_ =	strace s9  }
0x27: {  	s1 =	sld [smem:$0x3FAD]  }
0x28: {  	s2 =	sld [smem:$0x3FAE]  }
0x29: {  	s4 =	sld [smem:$0x3FB0]  }
0x2a: {  	p0 =	seq.s32 s5, $0x0;
	s5 =	sld [smem:$0x3FB1]  }
0x2b: {  	s6 =	sld [smem:$0x3FB2]  }
0x2c: {  	s7 =	sld [smem:$0x3FB3]  }
0x2d: {  	s3 =	simm.s32 $0x108;
	s8 =	sld [smem:$0x3FB4]  }
0x2e: {  	s3 =	simm.s32 @!p0 $0x1082;
	s9 =	sld [smem:$0x3FB5]  }
0x2f: {  	lr =	sadd.s32 s0, s3;
	s0 =	sld [smem:$0x3FAC]  }
0x30: {  	s3 =	sld [smem:$0x3FAF]  }
0x31: {  	[smem:$0x3FB8] =	sst s10  }
0x32: {  	s10 =	sld [smem:$0x3FB6];
	_ =	sdelay $0x3  }
0x33: {  	p0 =	seq.s32 s10, $0x1;
	s10 =	sld [smem:$0x3FB8];
	_ =	sdelay $0x3  }
0x34: {  	[smem:$0x3FB8] =	sst s10  }
0x35: {  	s10 =	sld [smem:$0x3FB7];
	_ =	sdelay $0x3  }
0x36: {  	p1 =	seq.s32 s10, $0x1;
	s10 =	sld [smem:$0x3FB8];
	_ =	sdelay $0x3  }
0x37: {  	[smem:$0x3FB8] =	sst s10  }
0x38: {  	s10 =	sld [smem:$0x3FB9]  }
0x39: {  	_ = 	snop;
	(pc) =	sbr.ind lr, $3  }
0x3a: {  	_ = 	snop  }
0x3b: {  	_ = 	snop  }
0x3c: {  	p2 =	seq.s32 s10, $0x1;
	s10 =	sld [smem:$0x3FB8]  }
0x3d: {  	_ =	shalt  }
0x3e: {  	_ =	shalt  }
0x3f: {  	_ =	shalt  }
0x40: {  	_ =	shalt  }
0x41: {  	_ =	shalt  }
0x42: {  	_ =	shalt  }
0x43: {  	_ =	shalt  }
0x44: {  	_ =	shalt  }
0x45: {  	_ =	shalt  }
0x46: {  	_ =	shalt  }
0x47: {  	_ =	shalt  }
0x48: {  	_ =	shalt  }
0x49: {  	_ =	shalt  }
0x4a: {  	_ =	shalt  }
0x4b: {  	_ =	shalt  }
0x4c: {  	_ =	shalt  }
0x4d: {  	_ =	shalt  }
0x4e: {  	_ =	shalt  }
0x4f: {  	_ =	shalt  }
0x50: {  	_ =	shalt  }
0x51: {  	_ =	shalt  }
0x52: {  	_ =	shalt  }
0x53: {  	_ =	shalt  }
0x54: {  	_ =	shalt  }
0x55: {  	_ =	shalt  }
0x56: {  	_ =	shalt  }
0x57: {  	_ =	shalt  }
0x58: {  	_ =	shalt  }
0x59: {  	_ =	shalt  }
0x5a: {  	_ =	shalt  }
0x5b: {  	_ =	shalt  }
0x5c: {  	_ =	shalt  }
0x5d: {  	_ =	shalt  }
0x5e: {  	_ =	shalt  }
0x5f: {  	_ =	shalt  }
0x60: {  	_ =	shalt  }
0x61: {  	_ =	shalt  }
0x62: {  	_ =	shalt  }
0x63: {  	_ =	shalt  }
0x64: {  	_ =	shalt  }
0x65: {  	_ =	shalt  }
0x66: {  	_ =	shalt  }
0x67: {  	_ =	shalt  }
0x68: {  	_ =	shalt  }
0x69: {  	_ =	shalt  }
0x6a: {  	_ =	shalt  }
0x6b: {  	_ =	shalt  }
0x6c: {  	_ =	shalt  }
0x6d: {  	_ =	shalt  }
0x6e: {  	_ =	shalt  }
0x6f: {  	_ =	shalt  }
0x70: {  	_ =	shalt  }
0x71: {  	_ =	shalt  }
0x72: {  	_ =	shalt  }
0x73: {  	_ =	shalt  }
0x74: {  	_ =	shalt  }
0x75: {  	_ =	shalt  }
0x76: {  	_ =	shalt  }
0x77: {  	_ =	shalt  }
0x78: {  	_ =	shalt  }
0x79: {  	_ =	shalt  }
0x7a: {  	_ =	shalt  }
0x7b: {  	_ =	shalt  }
0x7c: {  	_ =	shalt  }
0x7d: {  	_ =	shalt  }
0x7e: {  	_ =	shalt  }
0x7f: {  	_ =	shalt  }
0x80: {  	_ =	shalt  }
0x81: {  	_ =	shalt  }
0x82: {  	_ =	shalt  }
0x83: {  	_ =	shalt  }
0x84: {  	_ =	shalt  }
0x85: {  	_ =	shalt  }
0x86: {  	_ =	shalt  }
0x87: {  	_ =	shalt  }
.Lfunc_end0:
.L_simem_size_0:
called_computation_lowered:
.L_overlay_start_0:
0x88: {  	s2 =	sld [smem:$0x3FD9]  }
0x89: {  	s3 =	sld [smem:$0x3FFE];
	_ =	sdelay $0x1  }
0x8a: {  	s1 =	srdreg.scid  }
0x8b: {  	s0 =	sand.u32 $0x1, s1  }
0x8c: {  	s17 =	sshll.u32 s0, $0xA;
	s2 =	sadd.s32 s3, s2  }
0x8d: {  	s2 =	sadd.s32 s2, s17  }
0x8e: {  	[smem:$0x3FC4] =	sst s2  }
0x8f: {  	_ = 	snop  }
0x90: {  	s2 =	sld [smem:$0x3FC9]  }
0x91: {  	s18 =	sld [smem:$0x3FC6]  }
0x92: {  	s4 =	sld [smem:$0x3FD0];
	(tm) =	ssettm $0x1  }
0x93: {  	s5 =	sld [smem:$0x3FFB];
	_ =	sdelay $0x3  }
0x94: {  	_ =	strace s5  }
0x95: {  	s5 =	sld [smem:$0x3FFC];
	_ =	sdelay $0x3  }
0x96: {  	_ =	strace s5  }
0x97: {  	s5 =	sld [smem:$0x3FFD];
	_ =	sdelay $0x3  }
0x98: {  	_ =	strace s5  }
0x99: {  	_ =	strace $0x8FFFFFFF  }
0x9a: {  	s19 =	sld [smem:$0x3FDB];
	_ =	sdelay $0x1  }
0x9b: {  	s6 =	simm.s32 $_scs_section_size  }
0x9c: {  	s7 =	simm.s32 $_size__tile_overlayer_lowered;
	s8 =	simm.s32 $_tile_overlayer_lowered  }
0x9d: {  	s22 =	simm.s32 $0x1BFF;
	s21 =	sshll.u32 s8, $0x1;
	s5 =	sadd.s32 s6, s19  }
0x9e: {  	s9 =	simm.s32 $0x0;
	s20 =	sshll.u32 s7, $0x1;
	s7 =	sadd.s32 s21, s5  }
0x9f: {  	[timem:s9], [sflag:s22] =	dma.local [hbm:s7], s20  }
0xa0: {  	_ =	swait.ge [sflag:s22], s20  }
0xa1: {  	s6 =	ssub.s32 $0x0, s20;
	[sflag:s22] =	ssyncset.done $0x0  }
0xa2: {  	[sflag:s22] =	ssyncadd.s32 s6;
	_ =	sdelay $0x1  }
0xa3: {  	s23 =	simm.s32 $0x1B8B  }
0xa4: {  	_ =	swait.ge [sflag:s23], $0x1  }
0xa5: {  	[sflag:s23] =	ssyncset.done $0x0  }
0xa6: {  	s25 =	simm.s32 $0x1B8E;
	s24 =	sld [smem:$0x3FFE];
	[sflag:s23] =	ssyncadd.s32 $0xFFFFFFFF  }
0xa7: {  	s26 =	simm.s32 $execute0_lowered;
	[smem:$0x3FD2] =	sst s25  }
0xa8: {  	s7 =	sshll.u32 s26, $0x1;
	_ =	strace $0x80000046;
	[dreg:$0x1] =	wrdreg $0xFFFFFFFF  }
0xa9: {  	s28 =	simm.s32 $_size_execute0_lowered;
	s5 =	sadd.s32 s5, s7;
	[dreg:$0x0] =	wrdreg $0x0  }
0xaa: {  	s7 =	sshll.u32 s28, $0x1;
	[dreg:$0x2] =	wrdreg s5  }
0xab: {  	[dreg:$0x3] =	wrdreg s7  }
0xac: {  	[dreg:$0x4] =	wrdreg $0xC0  }
0xad: {  	_ =	task [dreg:s9], $0x5FFFF  }
0xae: {  	[dreg:$0x1] =	wrdreg $0xFFFFFFFF  }
0xaf: {  	[dreg:$0x0] =	wrdreg $0x60  }
0xb0: {  	[dreg:$0x2] =	wrdreg s2  }
0xb1: {  	[dreg:$0x3] =	wrdreg s24  }
0xb2: {  	[dreg:$0x4] =	wrdreg s18  }
0xb3: {  	[dreg:$0x5] =	wrdreg s4  }
0xb4: {  	[dreg:$0x6] =	wrdreg $0x9  }
0xb5: {  	_ =	task.clear_ibuf [dreg:s9], $0x7FFFF;
	_ =	strace $0x90000046  }
0xb6: {  	s29 =	simm.s32 $0x9;
	_ =	strace $0x80000048  }
0xb7: {  	_ =	swait.ge [sflag:s29], $0x1  }
0xb8: {  	[sflag:s29] =	ssyncadd.s32 $0xFFFFFFFF  }
0xb9: {  	_ =	strace $0x90000048  }
0xba: {  	_ =	sfence  }
0xbb: {  	s30 =	sld [smem:$0x0];
	_ =	sdelay $0x2  }
0xbc: {  	s31 =	sshll.u32 s1, $0xD;
	s1 =	sshrl.u32 s1, $0x2  }
0xbd: {  	s3 =	sand.u32 $0x4000, s31;
	s1 =	sadd.s32 s1, s30  }
0xbe: {  	s0 =	sor.u32 s3, s0;
	s1 =	sshll.u32 s1, $0x11  }
0xbf: {  	s0 =	sor.u32 s1, s0  }
0xc0: {  	s0 =	sadd.s32 $0x8F2B, s0  }
0xc1: {  	[sflag:s0] =	ssyncadd.remote.s32 $0x1  }
0xc2: {  	_ =	sfence.sel $0xFFFF  }
0xc3: {  	[dreg:$0x0] =	wrdreg $0xFFFFFFFF;
	(pc) =	sbr.abs _section_cstart, $3  }
0xc4: {  	[dreg:$0x1] =	wrdreg $0xFFFFFFFF  }
0xc5: {  	_ =	task.clear_ibuf [dreg:s9], $0x2FFFF;
	_ =	strace $0x9FFFFFFF  }
0xc6: {  	(tm) =	ssettm $0x7FFFFFFF  }
0xc7: {  	_ =	shalt  }
tec
execute0_lowered:
.L_overlay_start_1:
0x0: {  	(tag) =	ssettag $0x1  }
0x1: {  	s5 =	rddreg [dreg:$0x0]  }
0x2: {  	s4 =	rddreg [dreg:$0x1]  }
0x3: {  	s1 =	rddreg [dreg:$0x2]  }
0x4: {  	s2 =	srdreg.scid;
	s0 =	stileid.u32  }
0x5: {  	s7 =	rddreg [dreg:$0x3];
	s3 =	simm.s32 $0x0;
	s12 =	simm.s32 $0x420  }
0x6: {  	v6 =	vimm.s32 $0x7;
	v7 =	vimm.s32 $0x8;
	v8 =	vimm.s32 $0x9;
	s13 =	simm.s32 $0x1420;
	s14 =	simm.s32 $0x100;
	s15 =	simm.s32 $0x2420  }
0x7: {  	v9 =	vimm.s32 $0xA;
	v10 =	vimm.s32 $0xB;
	v11 =	vimm.s32 $0xC;
	s16 =	simm.s32 $0x180;
	s17 =	simm.s32 $0x3420;
	s18 =	simm.s32 $0x1  }
0x8: {  	v12 =	vimm.s32 $0xD;
	v13 =	vimm.s32 $0xE;
	v14 =	vimm.s32 $0xF;
	s6 =	sand.u32 $0x1, s2;
	s8 =	sshll.u32 s0, $0x1;
	s2 =	rddreg [dreg:$0x4]  }
0x9: {  	v15 =	vimm.s32 $0x10;
	v16 =	vimm.s32 $0x11;
	v17 =	vimm.s32 $0x12;
	s19 =	simm.s32 $0x0;
	[smem:$0x7FF] =	sst s3;
	s8 =	sor.u32 s6, s8  }
0xa: {  	v18 =	vimm.s32 $0x13;
	v19 =	vimm.s32 $0x14;
	v20 =	vimm.s32 $0x15;
	s6 =	ssub.s32 $0x2, s6;
	_ =	strace $0x80000047;
	s9 =	sshll.u32 s8, $0x6  }
0xb: {  	v21 =	vimm.s32 $0x16;
	v22 =	vimm.s32 $0x17;
	v23 =	vimm.s32 $0x18;
	s11 =	sshrl.u32 s6, $0x1;
	s8 =	sshll.u32 s8, $0xB;
	s10 =	sadd.s32 s9, s4  }
0xc: {  	v24 =	vimm.s32 $0x19;
	v25 =	vimm.s32 $0x1A;
	v26 =	vimm.s32 $0x1B;
	s4 =	sadd.s32 $0xF42A00, s4;
	s11 =	ssub.s32 s6, s11;
	s5 =	sadd.s32 s5, s9  }
0xd: {  	v27 =	vimm.s32 $0x1C;
	v28 =	vimm.s32 $0x1D;
	v0 =	vlaneseq.u32;
	s7 =	sadd.s32 s7, s8;
	s9 =	simm.s32 $0x2;
	s6 =	sadd.s32 $0x600, s10  }
0xe: {  	v29 =	vimm.s32 $0x1E;
	v30 =	vimm.s32 $0x1F;
	v31 =	vmul.u32 $0x20, v0;
	s8 =	smax.u32 s11, $0x1;
	s10 =	simm.s32 $0x400;
	s11 =	simm.s32 $0x80  }
.LBB2_1:
0xf: {  	[tilespmem:s3], [sflag:$0x2] =	stream.linear.gather [hbm4b:s5+s3], $0x200, $0x38;
	[tilespmem:$0x4420] =	vst v63  }
0x10: {  	_ =	swait.ge [sflag:s9], $0x200  }
0x11: {  	[sflag:s9] =	ssyncset.done $0x0  }
0x12: {  	s20 =	simm.s32 $0x200;
	[sflag:s9] =	ssyncadd.s32 $0xFFFFFE00  }
0x13: {  	[tilespmem:s20], [sflag:$0x2] =	stream.linear.gather [hbm4b:s6+s3], $0x200, $0x38;
	[tilespmem:$0x4420] =	vst v63  }
0x14: {  	_ =	swait.ge [sflag:s9], $0x200  }
0x15: {  	[sflag:s9] =	ssyncset.done $0x0  }
0x16: {  	[sflag:s9] =	ssyncadd.s32 $0xFFFFFE00  }
0x17: {  	[tilespmem:s10], [sflag:$0x2] =	stream.linear.gather [hbm4b:s1+s3], $0x20, $0x38;
	[tilespmem:$0x4420] =	vst v63  }
0x18: {  	_ =	swait.ge [sflag:s9], $0x20  }
0x19: {  	[sflag:s9] =	ssyncset.done $0x0  }
0x1a: {  	[sflag:s9] =	ssyncadd.s32 $0xFFFFFFE0  }
0x1b: {  	[tilespmem:s12], [sflag:$0x1] =	stream.indirect.gather [hbm4b:s4+s11], $0x20, s3, s11, $0xb8;
	[tilespmem:$0x4420] =	vst v63  }
0x1c: {  	_ = 	snop  }
0x1d: {  	[tilespmem:s13], [sflag:$0x1] =	stream.indirect.gather [hbm4b:s4+s11], $0x20, s11, s11, $0xb8;
	[tilespmem:$0x4420] =	vst v63  }
0x1e: {  	_ = 	snop  }
0x1f: {  	[tilespmem:s15], [sflag:$0x1] =	stream.indirect.gather [hbm4b:s4+s11], $0x20, s14, s11, $0xb8;
	[tilespmem:$0x4420] =	vst v63  }
0x20: {  	_ = 	snop  }
0x21: {  	[tilespmem:s17], [sflag:$0x1] =	stream.indirect.gather [hbm4b:s4+s11], $0x20, s16, s11, $0xb8;
	[tilespmem:$0x4420] =	vst v63  }
0x22: {  	_ =	swait.ge [sflag:s18], $0x1000  }
0x23: {  	[sflag:s18] =	ssyncset.done $0x0  }
0x24: {  	[sflag:s18] =	ssyncadd.s32 $0xFFFFF000  }
0x25: {  	_ =	swait.ge [sflag:s18], $0x1000  }
0x26: {  	[sflag:s18] =	ssyncset.done $0x0  }
0x27: {  	[sflag:s18] =	ssyncadd.s32 $0xFFFFF000  }
0x28: {  	_ =	swait.ge [sflag:s18], $0x1000  }
0x29: {  	v0 =	vimm.s32 $0x1;
	[sflag:s18] =	ssyncset.done $0x0  }
0x2a: {  	[sflag:s18] =	ssyncadd.s32 $0xFFFFF000  }
0x2b: {  	_ =	swait.ge [sflag:s18], $0x1000  }
0x2c: {  	[sflag:s18] =	ssyncset.done $0x0  }
0x2d: {  	[sflag:s18] =	ssyncadd.s32 $0xFFFFF000  }
0x2e: {  	v33 =	vld.idx.msk [tilespmem:v0+s10+$0x0], $0xffff;
	v0 =	vimm.s32 $0x2;
	_ =	sdelay $0x4  }
0x2f: {  	v34 =	vld.idx.msk [tilespmem:v0+s10+$0x0], $0xffff;
	v0 =	vimm.s32 $0x3;
	_ =	sdelay $0x1  }
0x30: {  	v32 =	vld.msk [tilespmem:s10+$0x0], $0xffff  }
0x31: {  	v39 =	vld.idx.msk [tilespmem:v6+s10+$0x0], $0xffff  }
0x32: {  	v40 =	vld.idx.msk [tilespmem:v7+s10+$0x0], $0xffff  }
0x33: {  	v35 =	vld.idx.msk [tilespmem:v0+s10+$0x0], $0xffff;
	v0 =	vimm.s32 $0x4  }
0x34: {  	v41 =	vld.idx.msk [tilespmem:v8+s10+$0x0], $0xffff  }
0x35: {  	v42 =	vld.idx.msk [tilespmem:v9+s10+$0x0], $0xffff  }
0x36: {  	v43 =	vld.idx.msk [tilespmem:v10+s10+$0x0], $0xffff  }
0x37: {  	v44 =	vld.idx.msk [tilespmem:v11+s10+$0x0], $0xffff  }
0x38: {  	v36 =	vld.idx.msk [tilespmem:v0+s10+$0x0], $0xffff;
	v0 =	vimm.s32 $0x5  }
0x39: {  	v45 =	vld.idx.msk [tilespmem:v12+s10+$0x0], $0xffff  }
0x3a: {  	v46 =	vld.idx.msk [tilespmem:v13+s10+$0x0], $0xffff  }
0x3b: {  	v47 =	vld.idx.msk [tilespmem:v14+s10+$0x0], $0xffff  }
0x3c: {  	v48 =	vld.idx.msk [tilespmem:v15+s10+$0x0], $0xffff  }
0x3d: {  	v37 =	vld.idx.msk [tilespmem:v0+s10+$0x0], $0xffff;
	v0 =	vimm.s32 $0x6  }
0x3e: {  	v49 =	vld.idx.msk [tilespmem:v16+s10+$0x0], $0xffff  }
0x3f: {  	v50 =	vld.idx.msk [tilespmem:v17+s10+$0x0], $0xffff  }
0x40: {  	v51 =	vld.idx.msk [tilespmem:v18+s10+$0x0], $0xffff  }
0x41: {  	v52 =	vld.idx.msk [tilespmem:v19+s10+$0x0], $0xffff  }
0x42: {  	v38 =	vld.idx.msk [tilespmem:v0+s10+$0x0], $0xffff  }
0x43: {  	v0 =	vld [tilespmem:s20+$0x0]  }
0x44: {  	v53 =	vld.idx.msk [tilespmem:v20+s10+$0x0], $0xffff  }
0x45: {  	v54 =	vld.idx.msk [tilespmem:v21+s10+$0x0], $0xffff  }
0x46: {  	v55 =	vld.idx.msk [tilespmem:v22+s10+$0x0], $0xffff  }
0x47: {  	v59 =	vmov s3;
	v56 =	vld.idx.msk [tilespmem:v23+s10+$0x0], $0xffff  }
0x48: {  	v57 =	vld.idx.msk [tilespmem:v24+s10+$0x0], $0xffff;
	vm0 =	vne.s32 v0, $0x0;
	v0 =	vshll.u32 v59, $0x5  }
0x49: {  	v58 =	vld.idx.msk [tilespmem:v25+s10+$0x0], $0xffff;
	v0 =	vor.u32 v31, v0  }
0x4a: {  	v60 =	vld.idx.msk [tilespmem:v27+s10+$0x0], $0xffff;
	v1 =	vor.u32 $0x1, v0  }
0x4b: {  	v61 =	vld.idx.msk [tilespmem:v28+s10+$0x0], $0xffff;
	v2 =	vor.u32 $0x2, v0  }
0x4c: {  	v62 =	vld.idx.msk [tilespmem:v29+s10+$0x0], $0xffff;
	v3 =	vor.u32 $0x3, v0  }
0x4d: {  	v63 =	vld.idx.msk [tilespmem:v30+s10+$0x0], $0xffff;
	v4 =	vor.u32 $0x4, v0  }
0x4e: {  	v59 =	vld.idx.msk [tilespmem:v26+s10+$0x0], $0xffff;
	v5 =	vor.u32 $0x5, v0;
	[tilespmem:v0+s12+$0x0] =	vst.idx.msk vm0, v32  }
0x4f: {  	[tilespmem:v1+s12+$0x0] =	vst.idx.msk vm0, v33;
	v1 =	vor.u32 $0x6, v0  }
0x50: {  	[tilespmem:v2+s12+$0x0] =	vst.idx.msk vm0, v34;
	v2 =	vor.u32 $0x7, v0  }
0x51: {  	[tilespmem:v3+s12+$0x0] =	vst.idx.msk vm0, v35;
	v3 =	vor.u32 $0x8, v0  }
0x52: {  	[tilespmem:v4+s12+$0x0] =	vst.idx.msk vm0, v36;
	v4 =	vor.u32 $0x9, v0  }
0x53: {  	[tilespmem:v5+s12+$0x0] =	vst.idx.msk vm0, v37;
	v5 =	vor.u32 $0xA, v0  }
0x54: {  	[tilespmem:v1+s12+$0x0] =	vst.idx.msk vm0, v38;
	v1 =	vor.u32 $0xB, v0  }
0x55: {  	[tilespmem:v2+s12+$0x0] =	vst.idx.msk vm0, v39;
	v2 =	vor.u32 $0xC, v0  }
0x56: {  	[tilespmem:v3+s12+$0x0] =	vst.idx.msk vm0, v40;
	v3 =	vor.u32 $0xD, v0  }
0x57: {  	[tilespmem:v4+s12+$0x0] =	vst.idx.msk vm0, v41;
	v4 =	vor.u32 $0xE, v0  }
0x58: {  	[tilespmem:v5+s12+$0x0] =	vst.idx.msk vm0, v42;
	v5 =	vor.u32 $0xF, v0  }
0x59: {  	[tilespmem:v1+s12+$0x0] =	vst.idx.msk vm0, v43;
	v1 =	vor.u32 $0x10, v0  }
0x5a: {  	[tilespmem:v2+s12+$0x0] =	vst.idx.msk vm0, v44;
	v2 =	vor.u32 $0x11, v0  }
0x5b: {  	[tilespmem:v3+s12+$0x0] =	vst.idx.msk vm0, v45;
	v3 =	vor.u32 $0x12, v0  }
0x5c: {  	[tilespmem:v4+s12+$0x0] =	vst.idx.msk vm0, v46;
	v4 =	vor.u32 $0x13, v0  }
0x5d: {  	[tilespmem:v5+s12+$0x0] =	vst.idx.msk vm0, v47;
	v5 =	vor.u32 $0x14, v0  }
0x5e: {  	[tilespmem:v1+s12+$0x0] =	vst.idx.msk vm0, v48;
	v1 =	vor.u32 $0x15, v0  }
0x5f: {  	[tilespmem:v2+s12+$0x0] =	vst.idx.msk vm0, v49;
	v2 =	vor.u32 $0x16, v0  }
0x60: {  	[tilespmem:v3+s12+$0x0] =	vst.idx.msk vm0, v50;
	v3 =	vor.u32 $0x17, v0  }
0x61: {  	[tilespmem:v4+s12+$0x0] =	vst.idx.msk vm0, v51;
	v4 =	vor.u32 $0x18, v0  }
0x62: {  	[tilespmem:v5+s12+$0x0] =	vst.idx.msk vm0, v52;
	v5 =	vor.u32 $0x19, v0  }
0x63: {  	[tilespmem:v1+s12+$0x0] =	vst.idx.msk vm0, v53;
	v1 =	vor.u32 $0x1A, v0  }
0x64: {  	[tilespmem:v2+s12+$0x0] =	vst.idx.msk vm0, v54;
	v2 =	vor.u32 $0x1B, v0  }
0x65: {  	[tilespmem:v3+s12+$0x0] =	vst.idx.msk vm0, v55;
	v3 =	vor.u32 $0x1C, v0  }
0x66: {  	[tilespmem:v4+s12+$0x0] =	vst.idx.msk vm0, v56;
	v4 =	vor.u32 $0x1D, v0  }
0x67: {  	[tilespmem:v5+s12+$0x0] =	vst.idx.msk vm0, v57;
	v5 =	vor.u32 $0x1E, v0  }
0x68: {  	[tilespmem:v1+s12+$0x0] =	vst.idx.msk vm0, v58  }
0x69: {  	v0 =	vor.u32 $0x1F, v0;
	[tilespmem:v2+s12+$0x0] =	vst.idx.msk vm0, v59  }
0x6a: {  	[tilespmem:v3+s12+$0x0] =	vst.idx.msk vm0, v60  }
0x6b: {  	[tilespmem:v4+s12+$0x0] =	vst.idx.msk vm0, v61  }
0x6c: {  	s21 =	simm.s32 $0x10;
	[tilespmem:v5+s12+$0x0] =	vst.idx.msk vm0, v62  }
.LBB2_2:
0x6d: {  	p0 =	sne.s32 s21, $0x1F0  }
0x6e: {  	[tilespmem:v0+s12+$0x0] =	vst.idx.msk vm0, v63;
	s20 =	sadd.s32 $0x10, s20;
	s22 =	smov.u32 s21;
	s21 =	sadd.s32 $0x10, s21  }
0x6f: {  	v0 =	vld [tilespmem:s20+$0x0];
	_ =	sdelay $0x3  }
0x70: {  	v1 =	vmov s22  }
0x71: {  	vm0 =	vne.s32 v0, $0x0;
	v0 =	vshll.u32 v1, $0x5  }
0x72: {  	v0 =	vor.u32 v31, v0  }
0x73: {  	v1 =	vor.u32 $0x1, v0  }
0x74: {  	v2 =	vor.u32 $0x2, v0  }
0x75: {  	v3 =	vor.u32 $0x3, v0  }
0x76: {  	v4 =	vor.u32 $0x4, v0  }
0x77: {  	v5 =	vor.u32 $0x5, v0;
	[tilespmem:v0+s12+$0x0] =	vst.idx.msk vm0, v32  }
0x78: {  	[tilespmem:v1+s12+$0x0] =	vst.idx.msk vm0, v33;
	v1 =	vor.u32 $0x6, v0  }
0x79: {  	[tilespmem:v2+s12+$0x0] =	vst.idx.msk vm0, v34;
	v2 =	vor.u32 $0x7, v0  }
0x7a: {  	[tilespmem:v3+s12+$0x0] =	vst.idx.msk vm0, v35;
	v3 =	vor.u32 $0x8, v0  }
0x7b: {  	[tilespmem:v4+s12+$0x0] =	vst.idx.msk vm0, v36;
	v4 =	vor.u32 $0x9, v0  }
0x7c: {  	[tilespmem:v5+s12+$0x0] =	vst.idx.msk vm0, v37;
	v5 =	vor.u32 $0xA, v0  }
0x7d: {  	[tilespmem:v1+s12+$0x0] =	vst.idx.msk vm0, v38;
	v1 =	vor.u32 $0xB, v0  }
0x7e: {  	[tilespmem:v2+s12+$0x0] =	vst.idx.msk vm0, v39;
	v2 =	vor.u32 $0xC, v0  }
0x7f: {  	[tilespmem:v3+s12+$0x0] =	vst.idx.msk vm0, v40;
	v3 =	vor.u32 $0xD, v0  }
0x80: {  	[tilespmem:v4+s12+$0x0] =	vst.idx.msk vm0, v41;
	v4 =	vor.u32 $0xE, v0  }
0x81: {  	[tilespmem:v5+s12+$0x0] =	vst.idx.msk vm0, v42;
	v5 =	vor.u32 $0xF, v0  }
0x82: {  	[tilespmem:v1+s12+$0x0] =	vst.idx.msk vm0, v43;
	v1 =	vor.u32 $0x10, v0  }
0x83: {  	[tilespmem:v2+s12+$0x0] =	vst.idx.msk vm0, v44;
	v2 =	vor.u32 $0x11, v0  }
0x84: {  	[tilespmem:v3+s12+$0x0] =	vst.idx.msk vm0, v45;
	v3 =	vor.u32 $0x12, v0  }
0x85: {  	[tilespmem:v4+s12+$0x0] =	vst.idx.msk vm0, v46;
	v4 =	vor.u32 $0x13, v0  }
0x86: {  	[tilespmem:v5+s12+$0x0] =	vst.idx.msk vm0, v47;
	v5 =	vor.u32 $0x14, v0  }
0x87: {  	[tilespmem:v1+s12+$0x0] =	vst.idx.msk vm0, v48;
	v1 =	vor.u32 $0x15, v0  }
0x88: {  	[tilespmem:v2+s12+$0x0] =	vst.idx.msk vm0, v49;
	v2 =	vor.u32 $0x16, v0  }
0x89: {  	[tilespmem:v3+s12+$0x0] =	vst.idx.msk vm0, v50;
	v3 =	vor.u32 $0x17, v0  }
0x8a: {  	[tilespmem:v4+s12+$0x0] =	vst.idx.msk vm0, v51;
	v4 =	vor.u32 $0x18, v0  }
0x8b: {  	[tilespmem:v5+s12+$0x0] =	vst.idx.msk vm0, v52;
	v5 =	vor.u32 $0x19, v0  }
0x8c: {  	[tilespmem:v1+s12+$0x0] =	vst.idx.msk vm0, v53;
	v1 =	vor.u32 $0x1A, v0  }
0x8d: {  	[tilespmem:v2+s12+$0x0] =	vst.idx.msk vm0, v54;
	v2 =	vor.u32 $0x1B, v0  }
0x8e: {  	[tilespmem:v3+s12+$0x0] =	vst.idx.msk vm0, v55;
	v3 =	vor.u32 $0x1C, v0  }
0x8f: {  	[tilespmem:v4+s12+$0x0] =	vst.idx.msk vm0, v56;
	v4 =	vor.u32 $0x1D, v0  }
0x90: {  	[tilespmem:v5+s12+$0x0] =	vst.idx.msk vm0, v57;
	v5 =	vor.u32 $0x1E, v0  }
.Ltmp0:
0x91: {  	v0 =	vor.u32 $0x1F, v0;
	[tilespmem:v1+s12+$0x0] =	vst.idx.msk vm0, v58;
	(pc) =	sbr.rel @p0 .LBB2_2-.Ltmp0, $4  }
0x92: {  	[tilespmem:v2+s12+$0x0] =	vst.idx.msk vm0, v59  }
0x93: {  	[tilespmem:v3+s12+$0x0] =	vst.idx.msk vm0, v60  }
0x94: {  	[tilespmem:v4+s12+$0x0] =	vst.idx.msk vm0, v61  }
0x95: {  	[tilespmem:v5+s12+$0x0] =	vst.idx.msk vm0, v62  }
0x96: {  	_ =	sdelay $0x2  }
0x97: {  	s19 =	sadd.s32 $0x1, s19  }
0x98: {  	p0 =	sne.s32 s19, s8  }
.Ltmp1:
0x99: {  	[tilespmem:v0+s12+$0x0] =	vst.idx.msk vm0, v63;
	(pc) =	sbr.rel @p0 .LBB2_1-.Ltmp1, $4  }
0x9a: {  	[hbm4b:s7+s3] =	stream.linear.scatter [tilespmem:s12], [sflag:$0x2], $0x4000, $0x38;
	[tilespmem:$0x4420] =	vst v63  }
0x9b: {  	_ =	swait.ge [sflag:s9], $0x4000  }
0x9c: {  	[sflag:s9] =	ssyncset.done $0x0  }
0x9d: {  	[sflag:s9] =	ssyncadd.s32 $0xFFFFC000  }
0x9e: {  	_ =	sfence.sel $0x180000  }
0x9f: {  	[bflag:$0x0] =	sbarrier.arrive $0xFFFF  }
0xa0: {  	p0 =	sne.s32 s0, $0x0;
	_ =	strace $0x90000047  }
0xa1: {  	s0 =	sadd.s32 @!p0 $0x100000, s2;
	[bflag:$0x2] =	sbarrier.arrive $0xFFFF  }
0xa2: {  	[sflag:s0] =	ssyncadd.tile.s32 @!p0 $0x1;
	_ =	shalt  }
.Lfunc_end2:
_tile_overlayer_lowered:
.L_overlay_start_2:
0xa3: {  	(tag) =	ssettag $0x2  }
0xa4: {  	s0 =	rddreg [dreg:$0x0];
	s2 =	stileid.u32  }
0xa5: {  	s1 =	rddreg [dreg:$0x1];
	p0 =	sne.s32 s2, $0x0  }
0xa6: {  	s3 =	rddreg [dreg:$0x2];
	[bflag:$0x3] =	sbarrier.arrive $0xFFFF;
	s2 =	simm.s32 @!p0 $0x1C02  }
0xa7: {  	[timem:s3], [sflag:s2] =	dma.local @!p0 [hbm:s0], s1  }
0xa8: {  	s0 =	simm.s32 @!p0 $0x2  }
0xa9: {  	_ =	swait.ge @!p0 [sflag:s0], s1  }
0xaa: {  	s1 =	ssub.s32 @!p0 $0x0, s1;
	[sflag:s0] =	ssyncset.done @!p0 $0x0  }
0xab: {  	[sflag:s0] =	ssyncadd.s32 @!p0 s1  }
0xac: {  	[bflag:$0x3] =	sbarrier.arrive $0xFFFF  }
0xad: {  	_ =	shalt  }

</sc_bundles>
